<compile_context>
chip_gen: v7x
topology: tpu7x:2x2x1
jax: 0.10.2.dev20260603
libtpu: 0.0.44.dev20260713+nightly
codegen_flags: <defaults>
</compile_context>

<pallas_src>
import functools

import jax
import jax.numpy as jnp
from jax import lax
from jax.experimental import pallas as pl
from jax.experimental.pallas import tpu as pltpu
from jax.experimental.pallas import tpu_sc as plsc

VOCAB_SIZE = 100000
EMBED_DIM = 128
BATCH = 1024
SEQ = 200

_NC = 2
_NS = 16
_NW = _NC * _NS
_B_PER_W = BATCH // _NW
_NBUF = 4
_FIRE = 2


def _gather_body(idx_hbm, table_hbm, out_hbm, idx_v, *scratch):
    rows = scratch[:_NBUF]
    gsems = scratch[_NBUF:2 * _NBUF]
    wsems = scratch[2 * _NBUF:3 * _NBUF]

    wid = lax.axis_index("s") * _NC + lax.axis_index("c")
    base = wid * _B_PER_W
    pltpu.sync_copy(idx_hbm.at[pl.ds(base * SEQ, _B_PER_W * SEQ)], idx_v)

    def gather(j, b):
        return pltpu.make_async_copy(
            table_hbm.at[idx_v.at[pl.ds(j * SEQ, SEQ)]], rows[b], gsems[b]
        )

    def write(j, b):
        return pltpu.make_async_copy(rows[b], out_hbm.at[base + j], wsems[b])

    for j in range(_FIRE):
        gather(j, j % _NBUF).start()

    def group(g, carry):
        for b in range(_NBUF):
            j = g * _NBUF + b
            nb = (b + _FIRE) % _NBUF

            @pl.when(j >= _NBUF - _FIRE)
            def _():
                write(j - (_NBUF - _FIRE), nb).wait()

            @pl.when(j + _FIRE < _B_PER_W)
            def _():
                gather(j + _FIRE, nb).start()

            gather(j, b).wait()
            write(j, b).start()
        return carry

    lax.fori_loop(0, _B_PER_W // _NBUF, group, 0)

    for j in range(_B_PER_W - (_NBUF - _FIRE), _B_PER_W):
        write(j, j % _NBUF).wait()


@functools.lru_cache(maxsize=1)
def _build_gather():
    return functools.partial(
        pl.kernel,
        mesh=plsc.VectorSubcoreMesh(core_axis_name="c", subcore_axis_name="s"),
        out_type=jax.ShapeDtypeStruct((BATCH, SEQ, EMBED_DIM), jnp.float32),
        scratch_types=(
            [pltpu.VMEM((_B_PER_W * SEQ,), jnp.int32)]
            + [pltpu.VMEM((SEQ, EMBED_DIM), jnp.float32)] * _NBUF
            + [pltpu.SemaphoreType.DMA] * (2 * _NBUF)
        ),
    )(_gather_body)


def kernel(input_ids, embedding):
    ids_flat = jnp.reshape(input_ids.astype(jnp.int32), (BATCH * SEQ,))
    return _build_gather()(ids_flat, embedding)

# --- scband reference (transcript-rebuilt; emitter-appended) ---
"""Pipeline reference for scband-char-language-model-base-18425409700279 (READ-ONLY COPY).

The authoritative reference and input builder live on the scoring server;
editing this copy changes nothing except your own understanding.
"""

import jax, jax.numpy as jnp
import numpy as np

VOCAB_SIZE = 100000
EMBED_DIM = 128
BATCH = 1024
SEQ = 200

def setup_inputs(seed: int = 0) -> dict:
    key = jax.random.key(seed)
    k_idx, k_emb = jax.random.split(key)
    input_ids = jax.random.randint(k_idx, (BATCH, SEQ), 0, VOCAB_SIZE, dtype=jnp.int64 if jax.config.jax_enable_x64 else jnp.int32)
    embedding = jax.random.normal(k_emb, (VOCAB_SIZE, EMBED_DIM), dtype=jnp.float32) * 0.02
    return {"input_ids": input_ids, "embedding": embedding}

def reference(input_ids, embedding):
    # Faithful to nn.Embedding forward: row gather from the table.
    return jnp.take(embedding, input_ids, axis=0)

if __name__ == "__main__":
    import jax
    _d = setup_inputs()
    print(jax.jit(kernel)(*tuple(_d.values())))

</pallas_src>

<mosaic_0001>
#map = affine_map<(d0, d1) -> (0)>
#map1 = affine_map<(d0, d1) -> (0, 0)>
#map2 = affine_map<(d0, d1) -> (0, 0, 0)>
module attributes {stable_mosaic.version = 14 : i64} {
  func.func @_gather_body(%arg0: i32, %arg1: i32, %arg2: memref<204800xi32, #tpu.memory_space<hbm>>, %arg3: memref<100000x128xf32, #tpu.memory_space<hbm>>, %arg4: memref<1024x200x128xf32, #tpu.memory_space<hbm>>, %arg5: memref<6400xi32, #tpu.memory_space<vmem>>, %arg6: memref<200x128xf32, #tpu.memory_space<vmem>>, %arg7: memref<200x128xf32, #tpu.memory_space<vmem>>, %arg8: memref<200x128xf32, #tpu.memory_space<vmem>>, %arg9: memref<200x128xf32, #tpu.memory_space<vmem>>, %arg10: memref<!tpu.dma_semaphore, #tpu.memory_space<semaphore_mem>>, %arg11: memref<!tpu.dma_semaphore, #tpu.memory_space<semaphore_mem>>, %arg12: memref<!tpu.dma_semaphore, #tpu.memory_space<semaphore_mem>>, %arg13: memref<!tpu.dma_semaphore, #tpu.memory_space<semaphore_mem>>, %arg14: memref<!tpu.dma_semaphore, #tpu.memory_space<semaphore_mem>>, %arg15: memref<!tpu.dma_semaphore, #tpu.memory_space<semaphore_mem>>, %arg16: memref<!tpu.dma_semaphore, #tpu.memory_space<semaphore_mem>>, %arg17: memref<!tpu.dma_semaphore, #tpu.memory_space<semaphore_mem>>) attributes {dimension_semantics = [#tpu.dimension_semantics<core_parallel>, #tpu.dimension_semantics<subcore_parallel>], iteration_bounds = array<i64: 2, 16>, scalar_prefetch = 0 : i64, scratch_operands = 13 : i64, tpu.core_type = #tpu.core_type<sc_vector_subcore>, window_params = [{transform_indices = #map}, {transform_indices = #map1}, {transform_indices = #map2}]} {
    %mul3A = arith.constant 2 : i32
    %mul3A_0 = arith.muli %arg1, %mul3A : i32
    %add3A = arith.addi %mul3A_0, %arg0 : i32
    %mul3A_1 = arith.constant 32 : i32
    %mul3A_2 = arith.muli %add3A, %mul3A_1 : i32
    %mul3A_3 = arith.constant 200 : i32
    %mul3A_4 = arith.muli %mul3A_2, %mul3A_3 : i32
    "tpu.region"() ({
      %run_scoped3A = tpu.sem_alloc : memref<!tpu.dma_semaphore, #tpu.memory_space<semaphore_mem>>
      %dma_start3A_38 = tpu.memref_slice %arg2[%mul3A_4] : memref<204800xi32, #tpu.memory_space<hbm>> -> memref<6400xi32, #tpu.memory_space<hbm>>
      %dma_start3A_39 = tpu.memref_slice %arg2[%mul3A_4] : memref<204800xi32, #tpu.memory_space<hbm>> -> memref<6400xi32, #tpu.memory_space<hbm>>
      tpu.enqueue_dma source(%dma_start3A_39 : memref<6400xi32, #tpu.memory_space<hbm>>) target(%arg5 : memref<6400xi32, #tpu.memory_space<vmem>>) target_semaphore(%run_scoped3A : memref<!tpu.dma_semaphore, #tpu.memory_space<semaphore_mem>>)
      %dma_wait3A_40 = tpu.memref_slice %arg2[%mul3A_4] : memref<204800xi32, #tpu.memory_space<hbm>> -> memref<6400xi32, #tpu.memory_space<hbm>>
      %dma_wait3A_41 = tpu.memref_slice %arg2[%mul3A_4] : memref<204800xi32, #tpu.memory_space<hbm>> -> memref<6400xi32, #tpu.memory_space<hbm>>
      tpu.wait_dma2 semaphore(%run_scoped3A : memref<!tpu.dma_semaphore, #tpu.memory_space<semaphore_mem>>) src(%dma_wait3A_41 : memref<6400xi32, #tpu.memory_space<hbm>>) dst(%arg5 : memref<6400xi32, #tpu.memory_space<vmem>>)
      tpu.yield
    }) : () -> ()
    %dma_start3A = arith.constant 0 : i32
    %dma_start3A_5 = tpu.memref_slice %arg5[%dma_start3A] : memref<6400xi32, #tpu.memory_space<vmem>> -> memref<200xi32, #tpu.memory_space<vmem>>
    %dma_start3A_6 = arith.constant 0 : i32
    %dma_start3A_7 = arith.constant 0 : i32
    %dma_start3A_8 = tpu.memref_slice %arg3[%dma_start3A_6, %dma_start3A_7] : memref<100000x128xf32, #tpu.memory_space<hbm>> -> memref<100000x128xf32, #tpu.memory_space<hbm>>
    tpu.enqueue_indirect_dma source(%dma_start3A_8 : memref<100000x128xf32, #tpu.memory_space<hbm>>) target(%arg6 : memref<200x128xf32, #tpu.memory_space<vmem>>) offsets(%dma_start3A_5 : memref<200xi32, #tpu.memory_space<vmem>>) semaphore(%arg10 : memref<!tpu.dma_semaphore, #tpu.memory_space<semaphore_mem>>)
    %dma_start3A_9 = arith.constant 200 : i32
    %dma_start3A_10 = tpu.memref_slice %arg5[%dma_start3A_9] : memref<6400xi32, #tpu.memory_space<vmem>> -> memref<200xi32, #tpu.memory_space<vmem>>
    %dma_start3A_11 = arith.constant 0 : i32
    %dma_start3A_12 = arith.constant 0 : i32
    %dma_start3A_13 = tpu.memref_slice %arg3[%dma_start3A_11, %dma_start3A_12] : memref<100000x128xf32, #tpu.memory_space<hbm>> -> memref<100000x128xf32, #tpu.memory_space<hbm>>
    tpu.enqueue_indirect_dma source(%dma_start3A_13 : memref<100000x128xf32, #tpu.memory_space<hbm>>) target(%arg7 : memref<200x128xf32, #tpu.memory_space<vmem>>) offsets(%dma_start3A_10 : memref<200xi32, #tpu.memory_space<vmem>>) semaphore(%arg11 : memref<!tpu.dma_semaphore, #tpu.memory_space<semaphore_mem>>)
    %scan3A = arith.constant 0 : i32
    %scan3A_14 = arith.constant 0 : i32
    %scan3A_15 = arith.constant 8 : i32
    %scan3A_16 = arith.addi %scan3A_14, %scan3A_15 : i32
    %scan3A_17 = arith.constant 1 : i32
    scf.for %scan3A_38 = %scan3A_14 to %scan3A_16 step %scan3A_17  : i32 {
      %mul3A_39 = arith.constant 4 : i32
      %mul3A_40 = arith.muli %scan3A_38, %mul3A_39 : i32
      %add3A_41 = arith.constant 0 : i32
      %add3A_42 = arith.addi %mul3A_40, %add3A_41 : i32
      %ge3A = arith.constant 2 : i32
      %ge3A_43 = arith.cmpi sge, %add3A_42, %ge3A : i32
      %convert_element_type3A = arith.extui %ge3A_43 : i1 to i32
      %cond3A = arith.constant 0 : i32
      %cond3A_44 = arith.cmpi ne, %convert_element_type3A, %cond3A : i32
      scf.if %cond3A_44 {
        %sub3A = arith.constant 2 : i32
        %sub3A_159 = arith.subi %add3A_42, %sub3A : i32
        %add3A_160 = arith.addi %mul3A_2, %sub3A_159 : i32
        %dma_wait3A_161 = arith.constant 0 : i32
        %dma_wait3A_162 = arith.constant 0 : i32
        %dma_wait3A_163 = tpu.memref_slice %arg4[%add3A_160, %dma_wait3A_161, %dma_wait3A_162] : memref<1024x200x128xf32, #tpu.memory_space<hbm>> -> memref<1x200x128xf32, #tpu.memory_space<hbm>>
        %dma_wait3A_164 = tpu.memref_squeeze %dma_wait3A_163 : memref<1x200x128xf32, #tpu.memory_space<hbm>> -> memref<200x128xf32, #tpu.memory_space<hbm>>
        %dma_wait3A_165 = arith.constant 0 : i32
        %dma_wait3A_166 = arith.constant 0 : i32
        %dma_wait3A_167 = tpu.memref_slice %arg4[%add3A_160, %dma_wait3A_165, %dma_wait3A_166] : memref<1024x200x128xf32, #tpu.memory_space<hbm>> -> memref<1x200x128xf32, #tpu.memory_space<hbm>>
        %dma_wait3A_168 = tpu.memref_squeeze %dma_wait3A_167 : memref<1x200x128xf32, #tpu.memory_space<hbm>> -> memref<200x128xf32, #tpu.memory_space<hbm>>
        tpu.wait_dma2 semaphore(%arg16 : memref<!tpu.dma_semaphore, #tpu.memory_space<semaphore_mem>>) src(%arg8 : memref<200x128xf32, #tpu.memory_space<vmem>>) dst(%dma_wait3A_168 : memref<200x128xf32, #tpu.memory_space<hbm>>)
      } else {
      }
      %add3A_45 = arith.constant 2 : i32
      %add3A_46 = arith.addi %add3A_42, %add3A_45 : i32
      %lt3A = arith.constant 32 : i32
      %lt3A_47 = arith.cmpi slt, %add3A_46, %lt3A : i32
      %convert_element_type3A_48 = arith.extui %lt3A_47 : i1 to i32
      %cond3A_49 = arith.constant 0 : i32
      %cond3A_50 = arith.cmpi ne, %convert_element_type3A_48, %cond3A_49 : i32
      scf.if %cond3A_50 {
        %add3A_159 = arith.constant 2 : i32
        %add3A_160 = arith.addi %add3A_42, %add3A_159 : i32
        %mul3A_161 = arith.constant 200 : i32
        %mul3A_162 = arith.muli %add3A_160, %mul3A_161 : i32
        %dma_start3A_163 = tpu.memref_slice %arg5[%mul3A_162] : memref<6400xi32, #tpu.memory_space<vmem>> -> memref<200xi32, #tpu.memory_space<vmem>>
        %dma_start3A_164 = arith.constant 0 : i32
        %dma_start3A_165 = arith.constant 0 : i32
        %dma_start3A_166 = tpu.memref_slice %arg3[%dma_start3A_164, %dma_start3A_165] : memref<100000x128xf32, #tpu.memory_space<hbm>> -> memref<100000x128xf32, #tpu.memory_space<hbm>>
        tpu.enqueue_indirect_dma source(%dma_start3A_166 : memref<100000x128xf32, #tpu.memory_space<hbm>>) target(%arg8 : memref<200x128xf32, #tpu.memory_space<vmem>>) offsets(%dma_start3A_163 : memref<200xi32, #tpu.memory_space<vmem>>) semaphore(%arg12 : memref<!tpu.dma_semaphore, #tpu.memory_space<semaphore_mem>>)
      } else {
      }
      %mul3A_51 = arith.constant 200 : i32
      %mul3A_52 = arith.muli %add3A_42, %mul3A_51 : i32
      %dma_wait3A_53 = tpu.memref_slice %arg5[%mul3A_52] : memref<6400xi32, #tpu.memory_space<vmem>> -> memref<200xi32, #tpu.memory_space<vmem>>
      %dma_wait3A_54 = arith.constant 0 : i32
      %dma_wait3A_55 = arith.constant 0 : i32
      %dma_wait3A_56 = tpu.memref_slice %arg3[%dma_wait3A_54, %dma_wait3A_55] : memref<100000x128xf32, #tpu.memory_space<hbm>> -> memref<100000x128xf32, #tpu.memory_space<hbm>>
      tpu.wait_indirect_dma semaphore(%arg10 : memref<!tpu.dma_semaphore, #tpu.memory_space<semaphore_mem>>) src(%dma_wait3A_56 : memref<100000x128xf32, #tpu.memory_space<hbm>>) dst(%arg6 : memref<200x128xf32, #tpu.memory_space<vmem>>)
      %add3A_57 = arith.addi %mul3A_2, %add3A_42 : i32
      %dma_start3A_58 = arith.constant 0 : i32
      %dma_start3A_59 = arith.constant 0 : i32
      %dma_start3A_60 = tpu.memref_slice %arg4[%add3A_57, %dma_start3A_58, %dma_start3A_59] : memref<1024x200x128xf32, #tpu.memory_space<hbm>> -> memref<1x200x128xf32, #tpu.memory_space<hbm>>
      %dma_start3A_61 = tpu.memref_squeeze %dma_start3A_60 : memref<1x200x128xf32, #tpu.memory_space<hbm>> -> memref<200x128xf32, #tpu.memory_space<hbm>>
      %dma_start3A_62 = arith.constant 0 : i32
      %dma_start3A_63 = arith.constant 0 : i32
      %dma_start3A_64 = tpu.memref_slice %arg4[%add3A_57, %dma_start3A_62, %dma_start3A_63] : memref<1024x200x128xf32, #tpu.memory_space<hbm>> -> memref<1x200x128xf32, #tpu.memory_space<hbm>>
      %dma_start3A_65 = tpu.memref_squeeze %dma_start3A_64 : memref<1x200x128xf32, #tpu.memory_space<hbm>> -> memref<200x128xf32, #tpu.memory_space<hbm>>
      tpu.enqueue_dma source(%arg6 : memref<200x128xf32, #tpu.memory_space<vmem>>) target(%dma_start3A_65 : memref<200x128xf32, #tpu.memory_space<hbm>>) target_semaphore(%arg14 : memref<!tpu.dma_semaphore, #tpu.memory_space<semaphore_mem>>)
      %mul3A_66 = arith.constant 4 : i32
      %mul3A_67 = arith.muli %scan3A_38, %mul3A_66 : i32
      %add3A_68 = arith.constant 1 : i32
      %add3A_69 = arith.addi %mul3A_67, %add3A_68 : i32
      %ge3A_70 = arith.constant 2 : i32
      %ge3A_71 = arith.cmpi sge, %add3A_69, %ge3A_70 : i32
      %convert_element_type3A_72 = arith.extui %ge3A_71 : i1 to i32
      %cond3A_73 = arith.constant 0 : i32
      %cond3A_74 = arith.cmpi ne, %convert_element_type3A_72, %cond3A_73 : i32
      scf.if %cond3A_74 {
        %sub3A = arith.constant 2 : i32
        %sub3A_159 = arith.subi %add3A_69, %sub3A : i32
        %add3A_160 = arith.addi %mul3A_2, %sub3A_159 : i32
        %dma_wait3A_161 = arith.constant 0 : i32
        %dma_wait3A_162 = arith.constant 0 : i32
        %dma_wait3A_163 = tpu.memref_slice %arg4[%add3A_160, %dma_wait3A_161, %dma_wait3A_162] : memref<1024x200x128xf32, #tpu.memory_space<hbm>> -> memref<1x200x128xf32, #tpu.memory_space<hbm>>
        %dma_wait3A_164 = tpu.memref_squeeze %dma_wait3A_163 : memref<1x200x128xf32, #tpu.memory_space<hbm>> -> memref<200x128xf32, #tpu.memory_space<hbm>>
        %dma_wait3A_165 = arith.constant 0 : i32
        %dma_wait3A_166 = arith.constant 0 : i32
        %dma_wait3A_167 = tpu.memref_slice %arg4[%add3A_160, %dma_wait3A_165, %dma_wait3A_166] : memref<1024x200x128xf32, #tpu.memory_space<hbm>> -> memref<1x200x128xf32, #tpu.memory_space<hbm>>
        %dma_wait3A_168 = tpu.memref_squeeze %dma_wait3A_167 : memref<1x200x128xf32, #tpu.memory_space<hbm>> -> memref<200x128xf32, #tpu.memory_space<hbm>>
        tpu.wait_dma2 semaphore(%arg17 : memref<!tpu.dma_semaphore, #tpu.memory_space<semaphore_mem>>) src(%arg9 : memref<200x128xf32, #tpu.memory_space<vmem>>) dst(%dma_wait3A_168 : memref<200x128xf32, #tpu.memory_space<hbm>>)
      } else {
      }
      %add3A_75 = arith.constant 2 : i32
      %add3A_76 = arith.addi %add3A_69, %add3A_75 : i32
      %lt3A_77 = arith.constant 32 : i32
      %lt3A_78 = arith.cmpi slt, %add3A_76, %lt3A_77 : i32
      %convert_element_type3A_79 = arith.extui %lt3A_78 : i1 to i32
      %cond3A_80 = arith.constant 0 : i32
      %cond3A_81 = arith.cmpi ne, %convert_element_type3A_79, %cond3A_80 : i32
      scf.if %cond3A_81 {
        %add3A_159 = arith.constant 2 : i32
        %add3A_160 = arith.addi %add3A_69, %add3A_159 : i32
        %mul3A_161 = arith.constant 200 : i32
        %mul3A_162 = arith.muli %add3A_160, %mul3A_161 : i32
        %dma_start3A_163 = tpu.memref_slice %arg5[%mul3A_162] : memref<6400xi32, #tpu.memory_space<vmem>> -> memref<200xi32, #tpu.memory_space<vmem>>
        %dma_start3A_164 = arith.constant 0 : i32
        %dma_start3A_165 = arith.constant 0 : i32
        %dma_start3A_166 = tpu.memref_slice %arg3[%dma_start3A_164, %dma_start3A_165] : memref<100000x128xf32, #tpu.memory_space<hbm>> -> memref<100000x128xf32, #tpu.memory_space<hbm>>
        tpu.enqueue_indirect_dma source(%dma_start3A_166 : memref<100000x128xf32, #tpu.memory_space<hbm>>) target(%arg9 : memref<200x128xf32, #tpu.memory_space<vmem>>) offsets(%dma_start3A_163 : memref<200xi32, #tpu.memory_space<vmem>>) semaphore(%arg13 : memref<!tpu.dma_semaphore, #tpu.memory_space<semaphore_mem>>)
      } else {
      }
      %mul3A_82 = arith.constant 200 : i32
      %mul3A_83 = arith.muli %add3A_69, %mul3A_82 : i32
      %dma_wait3A_84 = tpu.memref_slice %arg5[%mul3A_83] : memref<6400xi32, #tpu.memory_space<vmem>> -> memref<200xi32, #tpu.memory_space<vmem>>
      %dma_wait3A_85 = arith.constant 0 : i32
      %dma_wait3A_86 = arith.constant 0 : i32
      %dma_wait3A_87 = tpu.memref_slice %arg3[%dma_wait3A_85, %dma_wait3A_86] : memref<100000x128xf32, #tpu.memory_space<hbm>> -> memref<100000x128xf32, #tpu.memory_space<hbm>>
      tpu.wait_indirect_dma semaphore(%arg11 : memref<!tpu.dma_semaphore, #tpu.memory_space<semaphore_mem>>) src(%dma_wait3A_87 : memref<100000x128xf32, #tpu.memory_space<hbm>>) dst(%arg7 : memref<200x128xf32, #tpu.memory_space<vmem>>)
      %add3A_88 = arith.addi %mul3A_2, %add3A_69 : i32
      %dma_start3A_89 = arith.constant 0 : i32
      %dma_start3A_90 = arith.constant 0 : i32
      %dma_start3A_91 = tpu.memref_slice %arg4[%add3A_88, %dma_start3A_89, %dma_start3A_90] : memref<1024x200x128xf32, #tpu.memory_space<hbm>> -> memref<1x200x128xf32, #tpu.memory_space<hbm>>
      %dma_start3A_92 = tpu.memref_squeeze %dma_start3A_91 : memref<1x200x128xf32, #tpu.memory_space<hbm>> -> memref<200x128xf32, #tpu.memory_space<hbm>>
      %dma_start3A_93 = arith.constant 0 : i32
      %dma_start3A_94 = arith.constant 0 : i32
      %dma_start3A_95 = tpu.memref_slice %arg4[%add3A_88, %dma_start3A_93, %dma_start3A_94] : memref<1024x200x128xf32, #tpu.memory_space<hbm>> -> memref<1x200x128xf32, #tpu.memory_space<hbm>>
      %dma_start3A_96 = tpu.memref_squeeze %dma_start3A_95 : memref<1x200x128xf32, #tpu.memory_space<hbm>> -> memref<200x128xf32, #tpu.memory_space<hbm>>
      tpu.enqueue_dma source(%arg7 : memref<200x128xf32, #tpu.memory_space<vmem>>) target(%dma_start3A_96 : memref<200x128xf32, #tpu.memory_space<hbm>>) target_semaphore(%arg15 : memref<!tpu.dma_semaphore, #tpu.memory_space<semaphore_mem>>)
      %mul3A_97 = arith.constant 4 : i32
      %mul3A_98 = arith.muli %scan3A_38, %mul3A_97 : i32
      %add3A_99 = arith.constant 2 : i32
      %add3A_100 = arith.addi %mul3A_98, %add3A_99 : i32
      %ge3A_101 = arith.constant 2 : i32
      %ge3A_102 = arith.cmpi sge, %add3A_100, %ge3A_101 : i32
      %convert_element_type3A_103 = arith.extui %ge3A_102 : i1 to i32
      %cond3A_104 = arith.constant 0 : i32
      %cond3A_105 = arith.cmpi ne, %convert_element_type3A_103, %cond3A_104 : i32
      scf.if %cond3A_105 {
        %sub3A = arith.constant 2 : i32
        %sub3A_159 = arith.subi %add3A_100, %sub3A : i32
        %add3A_160 = arith.addi %mul3A_2, %sub3A_159 : i32
        %dma_wait3A_161 = arith.constant 0 : i32
        %dma_wait3A_162 = arith.constant 0 : i32
        %dma_wait3A_163 = tpu.memref_slice %arg4[%add3A_160, %dma_wait3A_161, %dma_wait3A_162] : memref<1024x200x128xf32, #tpu.memory_space<hbm>> -> memref<1x200x128xf32, #tpu.memory_space<hbm>>
        %dma_wait3A_164 = tpu.memref_squeeze %dma_wait3A_163 : memref<1x200x128xf32, #tpu.memory_space<hbm>> -> memref<200x128xf32, #tpu.memory_space<hbm>>
        %dma_wait3A_165 = arith.constant 0 : i32
        %dma_wait3A_166 = arith.constant 0 : i32
        %dma_wait3A_167 = tpu.memref_slice %arg4[%add3A_160, %dma_wait3A_165, %dma_wait3A_166] : memref<1024x200x128xf32, #tpu.memory_space<hbm>> -> memref<1x200x128xf32, #tpu.memory_space<hbm>>
        %dma_wait3A_168 = tpu.memref_squeeze %dma_wait3A_167 : memref<1x200x128xf32, #tpu.memory_space<hbm>> -> memref<200x128xf32, #tpu.memory_space<hbm>>
        tpu.wait_dma2 semaphore(%arg14 : memref<!tpu.dma_semaphore, #tpu.memory_space<semaphore_mem>>) src(%arg6 : memref<200x128xf32, #tpu.memory_space<vmem>>) dst(%dma_wait3A_168 : memref<200x128xf32, #tpu.memory_space<hbm>>)
      } else {
      }
      %add3A_106 = arith.constant 2 : i32
      %add3A_107 = arith.addi %add3A_100, %add3A_106 : i32
      %lt3A_108 = arith.constant 32 : i32
      %lt3A_109 = arith.cmpi slt, %add3A_107, %lt3A_108 : i32
      %convert_element_type3A_110 = arith.extui %lt3A_109 : i1 to i32
      %cond3A_111 = arith.constant 0 : i32
      %cond3A_112 = arith.cmpi ne, %convert_element_type3A_110, %cond3A_111 : i32
      scf.if %cond3A_112 {
        %add3A_159 = arith.constant 2 : i32
        %add3A_160 = arith.addi %add3A_100, %add3A_159 : i32
        %mul3A_161 = arith.constant 200 : i32
        %mul3A_162 = arith.muli %add3A_160, %mul3A_161 : i32
        %dma_start3A_163 = tpu.memref_slice %arg5[%mul3A_162] : memref<6400xi32, #tpu.memory_space<vmem>> -> memref<200xi32, #tpu.memory_space<vmem>>
        %dma_start3A_164 = arith.constant 0 : i32
        %dma_start3A_165 = arith.constant 0 : i32
        %dma_start3A_166 = tpu.memref_slice %arg3[%dma_start3A_164, %dma_start3A_165] : memref<100000x128xf32, #tpu.memory_space<hbm>> -> memref<100000x128xf32, #tpu.memory_space<hbm>>
        tpu.enqueue_indirect_dma source(%dma_start3A_166 : memref<100000x128xf32, #tpu.memory_space<hbm>>) target(%arg6 : memref<200x128xf32, #tpu.memory_space<vmem>>) offsets(%dma_start3A_163 : memref<200xi32, #tpu.memory_space<vmem>>) semaphore(%arg10 : memref<!tpu.dma_semaphore, #tpu.memory_space<semaphore_mem>>)
      } else {
      }
      %mul3A_113 = arith.constant 200 : i32
      %mul3A_114 = arith.muli %add3A_100, %mul3A_113 : i32
      %dma_wait3A_115 = tpu.memref_slice %arg5[%mul3A_114] : memref<6400xi32, #tpu.memory_space<vmem>> -> memref<200xi32, #tpu.memory_space<vmem>>
      %dma_wait3A_116 = arith.constant 0 : i32
      %dma_wait3A_117 = arith.constant 0 : i32
      %dma_wait3A_118 = tpu.memref_slice %arg3[%dma_wait3A_116, %dma_wait3A_117] : memref<100000x128xf32, #tpu.memory_space<hbm>> -> memref<100000x128xf32, #tpu.memory_space<hbm>>
      tpu.wait_indirect_dma semaphore(%arg12 : memref<!tpu.dma_semaphore, #tpu.memory_space<semaphore_mem>>) src(%dma_wait3A_118 : memref<100000x128xf32, #tpu.memory_space<hbm>>) dst(%arg8 : memref<200x128xf32, #tpu.memory_space<vmem>>)
      %add3A_119 = arith.addi %mul3A_2, %add3A_100 : i32
      %dma_start3A_120 = arith.constant 0 : i32
      %dma_start3A_121 = arith.constant 0 : i32
      %dma_start3A_122 = tpu.memref_slice %arg4[%add3A_119, %dma_start3A_120, %dma_start3A_121] : memref<1024x200x128xf32, #tpu.memory_space<hbm>> -> memref<1x200x128xf32, #tpu.memory_space<hbm>>
      %dma_start3A_123 = tpu.memref_squeeze %dma_start3A_122 : memref<1x200x128xf32, #tpu.memory_space<hbm>> -> memref<200x128xf32, #tpu.memory_space<hbm>>
      %dma_start3A_124 = arith.constant 0 : i32
      %dma_start3A_125 = arith.constant 0 : i32
      %dma_start3A_126 = tpu.memref_slice %arg4[%add3A_119, %dma_start3A_124, %dma_start3A_125] : memref<1024x200x128xf32, #tpu.memory_space<hbm>> -> memref<1x200x128xf32, #tpu.memory_space<hbm>>
      %dma_start3A_127 = tpu.memref_squeeze %dma_start3A_126 : memref<1x200x128xf32, #tpu.memory_space<hbm>> -> memref<200x128xf32, #tpu.memory_space<hbm>>
      tpu.enqueue_dma source(%arg8 : memref<200x128xf32, #tpu.memory_space<vmem>>) target(%dma_start3A_127 : memref<200x128xf32, #tpu.memory_space<hbm>>) target_semaphore(%arg16 : memref<!tpu.dma_semaphore, #tpu.memory_space<semaphore_mem>>)
      %mul3A_128 = arith.constant 4 : i32
      %mul3A_129 = arith.muli %scan3A_38, %mul3A_128 : i32
      %add3A_130 = arith.constant 3 : i32
      %add3A_131 = arith.addi %mul3A_129, %add3A_130 : i32
      %ge3A_132 = arith.constant 2 : i32
      %ge3A_133 = arith.cmpi sge, %add3A_131, %ge3A_132 : i32
      %convert_element_type3A_134 = arith.extui %ge3A_133 : i1 to i32
      %cond3A_135 = arith.constant 0 : i32
      %cond3A_136 = arith.cmpi ne, %convert_element_type3A_134, %cond3A_135 : i32
      scf.if %cond3A_136 {
        %sub3A = arith.constant 2 : i32
        %sub3A_159 = arith.subi %add3A_131, %sub3A : i32
        %add3A_160 = arith.addi %mul3A_2, %sub3A_159 : i32
        %dma_wait3A_161 = arith.constant 0 : i32
        %dma_wait3A_162 = arith.constant 0 : i32
        %dma_wait3A_163 = tpu.memref_slice %arg4[%add3A_160, %dma_wait3A_161, %dma_wait3A_162] : memref<1024x200x128xf32, #tpu.memory_space<hbm>> -> memref<1x200x128xf32, #tpu.memory_space<hbm>>
        %dma_wait3A_164 = tpu.memref_squeeze %dma_wait3A_163 : memref<1x200x128xf32, #tpu.memory_space<hbm>> -> memref<200x128xf32, #tpu.memory_space<hbm>>
        %dma_wait3A_165 = arith.constant 0 : i32
        %dma_wait3A_166 = arith.constant 0 : i32
        %dma_wait3A_167 = tpu.memref_slice %arg4[%add3A_160, %dma_wait3A_165, %dma_wait3A_166] : memref<1024x200x128xf32, #tpu.memory_space<hbm>> -> memref<1x200x128xf32, #tpu.memory_space<hbm>>
        %dma_wait3A_168 = tpu.memref_squeeze %dma_wait3A_167 : memref<1x200x128xf32, #tpu.memory_space<hbm>> -> memref<200x128xf32, #tpu.memory_space<hbm>>
        tpu.wait_dma2 semaphore(%arg15 : memref<!tpu.dma_semaphore, #tpu.memory_space<semaphore_mem>>) src(%arg7 : memref<200x128xf32, #tpu.memory_space<vmem>>) dst(%dma_wait3A_168 : memref<200x128xf32, #tpu.memory_space<hbm>>)
      } else {
      }
      %add3A_137 = arith.constant 2 : i32
      %add3A_138 = arith.addi %add3A_131, %add3A_137 : i32
      %lt3A_139 = arith.constant 32 : i32
      %lt3A_140 = arith.cmpi slt, %add3A_138, %lt3A_139 : i32
      %convert_element_type3A_141 = arith.extui %lt3A_140 : i1 to i32
      %cond3A_142 = arith.constant 0 : i32
      %cond3A_143 = arith.cmpi ne, %convert_element_type3A_141, %cond3A_142 : i32
      scf.if %cond3A_143 {
        %add3A_159 = arith.constant 2 : i32
        %add3A_160 = arith.addi %add3A_131, %add3A_159 : i32
        %mul3A_161 = arith.constant 200 : i32
        %mul3A_162 = arith.muli %add3A_160, %mul3A_161 : i32
        %dma_start3A_163 = tpu.memref_slice %arg5[%mul3A_162] : memref<6400xi32, #tpu.memory_space<vmem>> -> memref<200xi32, #tpu.memory_space<vmem>>
        %dma_start3A_164 = arith.constant 0 : i32
        %dma_start3A_165 = arith.constant 0 : i32
        %dma_start3A_166 = tpu.memref_slice %arg3[%dma_start3A_164, %dma_start3A_165] : memref<100000x128xf32, #tpu.memory_space<hbm>> -> memref<100000x128xf32, #tpu.memory_space<hbm>>
        tpu.enqueue_indirect_dma source(%dma_start3A_166 : memref<100000x128xf32, #tpu.memory_space<hbm>>) target(%arg7 : memref<200x128xf32, #tpu.memory_space<vmem>>) offsets(%dma_start3A_163 : memref<200xi32, #tpu.memory_space<vmem>>) semaphore(%arg11 : memref<!tpu.dma_semaphore, #tpu.memory_space<semaphore_mem>>)
      } else {
      }
      %mul3A_144 = arith.constant 200 : i32
      %mul3A_145 = arith.muli %add3A_131, %mul3A_144 : i32
      %dma_wait3A_146 = tpu.memref_slice %arg5[%mul3A_145] : memref<6400xi32, #tpu.memory_space<vmem>> -> memref<200xi32, #tpu.memory_space<vmem>>
      %dma_wait3A_147 = arith.constant 0 : i32
      %dma_wait3A_148 = arith.constant 0 : i32
      %dma_wait3A_149 = tpu.memref_slice %arg3[%dma_wait3A_147, %dma_wait3A_148] : memref<100000x128xf32, #tpu.memory_space<hbm>> -> memref<100000x128xf32, #tpu.memory_space<hbm>>
      tpu.wait_indirect_dma semaphore(%arg13 : memref<!tpu.dma_semaphore, #tpu.memory_space<semaphore_mem>>) src(%dma_wait3A_149 : memref<100000x128xf32, #tpu.memory_space<hbm>>) dst(%arg9 : memref<200x128xf32, #tpu.memory_space<vmem>>)
      %add3A_150 = arith.addi %mul3A_2, %add3A_131 : i32
      %dma_start3A_151 = arith.constant 0 : i32
      %dma_start3A_152 = arith.constant 0 : i32
      %dma_start3A_153 = tpu.memref_slice %arg4[%add3A_150, %dma_start3A_151, %dma_start3A_152] : memref<1024x200x128xf32, #tpu.memory_space<hbm>> -> memref<1x200x128xf32, #tpu.memory_space<hbm>>
      %dma_start3A_154 = tpu.memref_squeeze %dma_start3A_153 : memref<1x200x128xf32, #tpu.memory_space<hbm>> -> memref<200x128xf32, #tpu.memory_space<hbm>>
      %dma_start3A_155 = arith.constant 0 : i32
      %dma_start3A_156 = arith.constant 0 : i32
      %dma_start3A_157 = tpu.memref_slice %arg4[%add3A_150, %dma_start3A_155, %dma_start3A_156] : memref<1024x200x128xf32, #tpu.memory_space<hbm>> -> memref<1x200x128xf32, #tpu.memory_space<hbm>>
      %dma_start3A_158 = tpu.memref_squeeze %dma_start3A_157 : memref<1x200x128xf32, #tpu.memory_space<hbm>> -> memref<200x128xf32, #tpu.memory_space<hbm>>
      tpu.enqueue_dma source(%arg9 : memref<200x128xf32, #tpu.memory_space<vmem>>) target(%dma_start3A_158 : memref<200x128xf32, #tpu.memory_space<hbm>>) target_semaphore(%arg17 : memref<!tpu.dma_semaphore, #tpu.memory_space<semaphore_mem>>)
    }
    %scan3A_18 = arith.constant 8 : i32
    %add3A_19 = arith.constant 30 : i32
    %add3A_20 = arith.addi %mul3A_2, %add3A_19 : i32
    %dma_wait3A = arith.constant 0 : i32
    %dma_wait3A_21 = arith.constant 0 : i32
    %dma_wait3A_22 = tpu.memref_slice %arg4[%add3A_20, %dma_wait3A, %dma_wait3A_21] : memref<1024x200x128xf32, #tpu.memory_space<hbm>> -> memref<1x200x128xf32, #tpu.memory_space<hbm>>
    %dma_wait3A_23 = tpu.memref_squeeze %dma_wait3A_22 : memref<1x200x128xf32, #tpu.memory_space<hbm>> -> memref<200x128xf32, #tpu.memory_space<hbm>>
    %dma_wait3A_24 = arith.constant 0 : i32
    %dma_wait3A_25 = arith.constant 0 : i32
    %dma_wait3A_26 = tpu.memref_slice %arg4[%add3A_20, %dma_wait3A_24, %dma_wait3A_25] : memref<1024x200x128xf32, #tpu.memory_space<hbm>> -> memref<1x200x128xf32, #tpu.memory_space<hbm>>
    %dma_wait3A_27 = tpu.memref_squeeze %dma_wait3A_26 : memref<1x200x128xf32, #tpu.memory_space<hbm>> -> memref<200x128xf32, #tpu.memory_space<hbm>>
    tpu.wait_dma2 semaphore(%arg16 : memref<!tpu.dma_semaphore, #tpu.memory_space<semaphore_mem>>) src(%arg8 : memref<200x128xf32, #tpu.memory_space<vmem>>) dst(%dma_wait3A_27 : memref<200x128xf32, #tpu.memory_space<hbm>>)
    %add3A_28 = arith.constant 31 : i32
    %add3A_29 = arith.addi %mul3A_2, %add3A_28 : i32
    %dma_wait3A_30 = arith.constant 0 : i32
    %dma_wait3A_31 = arith.constant 0 : i32
    %dma_wait3A_32 = tpu.memref_slice %arg4[%add3A_29, %dma_wait3A_30, %dma_wait3A_31] : memref<1024x200x128xf32, #tpu.memory_space<hbm>> -> memref<1x200x128xf32, #tpu.memory_space<hbm>>
    %dma_wait3A_33 = tpu.memref_squeeze %dma_wait3A_32 : memref<1x200x128xf32, #tpu.memory_space<hbm>> -> memref<200x128xf32, #tpu.memory_space<hbm>>
    %dma_wait3A_34 = arith.constant 0 : i32
    %dma_wait3A_35 = arith.constant 0 : i32
    %dma_wait3A_36 = tpu.memref_slice %arg4[%add3A_29, %dma_wait3A_34, %dma_wait3A_35] : memref<1024x200x128xf32, #tpu.memory_space<hbm>> -> memref<1x200x128xf32, #tpu.memory_space<hbm>>
    %dma_wait3A_37 = tpu.memref_squeeze %dma_wait3A_36 : memref<1x200x128xf32, #tpu.memory_space<hbm>> -> memref<200x128xf32, #tpu.memory_space<hbm>>
    tpu.wait_dma2 semaphore(%arg17 : memref<!tpu.dma_semaphore, #tpu.memory_space<semaphore_mem>>) src(%arg9 : memref<200x128xf32, #tpu.memory_space<vmem>>) dst(%dma_wait3A_37 : memref<200x128xf32, #tpu.memory_space<hbm>>)
    return
  }
}

</mosaic_0001>

<sc_bundles>
// kernel: kernel.3.cloned.1.call-start
scs
__scs_entry_jumppad:
0x0: {  	(pc) =	sbr.rel $0x88, $3  }
0x1: {  	(tag) =	ssettag $0x0;
	lr =	simm.s32 $0x1  }
0x2: {  	[smem:$0x3F9F] =	sst lr;
	_ =	strace $0xD0000000  }
0x3: {  	_ = 	snop  }
0x4: {  	_ = 	snop  }
0x5: {  	_ = 	snop  }
0x6: {  	_ = 	snop  }
0x7: {  	_ = 	snop  }
__scs_overlays_trampoline_lowered:
0x8: {  	[smem:$0x3FAE] =	sst s0  }
0x9: {  	[smem:$0x3FAF] =	sst s1  }
0xa: {  	[smem:$0x3FB0] =	sst s2  }
0xb: {  	[smem:$0x3FB1] =	sst s3  }
0xc: {  	[smem:$0x3FB2] =	sst s4  }
0xd: {  	[smem:$0x3FB3] =	sst s5  }
0xe: {  	[smem:$0x3FB4] =	sst s6  }
0xf: {  	[smem:$0x3FB5] =	sst s7  }
0x10: {  	[smem:$0x3FB6] =	sst s8  }
0x11: {  	[smem:$0x3FB7] =	sst s9;
	s0 =	simm.s32 @!p0 $0x0  }
0x12: {  	s1 =	sld [smem:$0x3F9D];
	s0 =	simm.s32 @p0 $0x1  }
0x13: {  	[smem:$0x3FB8] =	sst s0;
	s0 =	simm.s32 @!p1 $0x0  }
0x14: {  	s2 =	sld [smem:$0x3F9C];
	s0 =	simm.s32 @p1 $0x1  }
0x15: {  	[smem:$0x3FB9] =	sst s0;
	s0 =	simm.s32 @!p2 $0x0  }
0x16: {  	s3 =	sld [smem:$0x3FDB];
	s0 =	simm.s32 @p2 $0x1  }
0x17: {  	s4 =	simm.s32 $0x1BF5;
	[smem:$0x3FBB] =	sst s0  }
0x18: {  	s0 =	sld [smem:$0x3F9E];
	_ =	swait.ge [sflag:s4], $0x0  }
0x19: {  	s7 =	sld [smem:$0x3F9F]  }
0x1a: {  	s8 =	sadd.s32 $0xFFFFE003, lr  }
0x1b: {  	s9 =	sadd.s32 $0xFFFFFEF7, lr;
	s5 =	simm.s32 $0xFFFFFFFF;
	p2 =	slt.u32 s8, $0xFFFFF086  }
0x1c: {  	p1 =	slt.u32 s9, $0xF7A;
	s5 =	simm.s32 @!p2 $0x0  }
0x1d: {  	s5 =	simm.s32 @p1 $0x1;
	p0 =	seq.s32 s7, s2  }
0x1e: {  	s7 =	smul.u32 @!p0 $0xF7A, s2;
	p2 =	seq.s32 @!p0 s5, $0x0  }
0x1f: {  	s9 =	smul.u32 $0xF7A, s1;
	s8 =	simm.s32 @!p0 $0x1BF5;
	p2 =	por !p2, p0  }
0x20: {  	[sflag:s8] =	ssyncset.s32 @!p0 $0xFFFFF086;
	s6 =	sadd.s32 @!p0 s3, s7;
	s7 =	simm.s32 @!p0 $0x108  }
0x21: {  	s3 =	sadd.s32 s3, s9;
	s6 =	sadd.s32 @!p0 $0x88, s6;
	s7 =	simm.s32 @p2 $0x1082  }
0x22: {  	[simem:s7], [sflag:s8] =	dma.local @!p0 [hbm:s6], $0xF7A  }
0x23: {  	s9 =	sor.u32 $0xD0000000, s2;
	s6 =	simm.s32 $0x108;
	_ =	swait.ge @!p0 [sflag:s8], $0x0  }
0x24: {  	s3 =	sadd.s32 $0x88, s3;
	s6 =	simm.s32 @!p1 $0x1082;
	[sflag:s4] =	ssyncset.s32 $0xFFFFF086  }
0x25: {  	[simem:s6], [sflag:s4] =	dma.local [hbm:s3], $0xF7A  }
0x26: {  	[smem:$0x3F9F] =	sst s1;
	(tag) =	ssettag s2;
	_ =	strace s9  }
0x27: {  	s1 =	sld [smem:$0x3FAF]  }
0x28: {  	s2 =	sld [smem:$0x3FB0]  }
0x29: {  	s4 =	sld [smem:$0x3FB2]  }
0x2a: {  	p0 =	seq.s32 s5, $0x0;
	s5 =	sld [smem:$0x3FB3]  }
0x2b: {  	s6 =	sld [smem:$0x3FB4]  }
0x2c: {  	s7 =	sld [smem:$0x3FB5]  }
0x2d: {  	s3 =	simm.s32 $0x108;
	s8 =	sld [smem:$0x3FB6]  }
0x2e: {  	s3 =	simm.s32 @!p0 $0x1082;
	s9 =	sld [smem:$0x3FB7]  }
0x2f: {  	lr =	sadd.s32 s0, s3;
	s0 =	sld [smem:$0x3FAE]  }
0x30: {  	s3 =	sld [smem:$0x3FB1]  }
0x31: {  	[smem:$0x3FBA] =	sst s10  }
0x32: {  	s10 =	sld [smem:$0x3FB8];
	_ =	sdelay $0x3  }
0x33: {  	p0 =	seq.s32 s10, $0x1;
	s10 =	sld [smem:$0x3FBA];
	_ =	sdelay $0x3  }
0x34: {  	[smem:$0x3FBA] =	sst s10  }
0x35: {  	s10 =	sld [smem:$0x3FB9];
	_ =	sdelay $0x3  }
0x36: {  	p1 =	seq.s32 s10, $0x1;
	s10 =	sld [smem:$0x3FBA];
	_ =	sdelay $0x3  }
0x37: {  	[smem:$0x3FBA] =	sst s10  }
0x38: {  	s10 =	sld [smem:$0x3FBB]  }
0x39: {  	_ = 	snop;
	(pc) =	sbr.ind lr, $3  }
0x3a: {  	_ = 	snop  }
0x3b: {  	_ = 	snop  }
0x3c: {  	p2 =	seq.s32 s10, $0x1;
	s10 =	sld [smem:$0x3FBA]  }
0x3d: {  	_ =	shalt  }
0x3e: {  	_ =	shalt  }
0x3f: {  	_ =	shalt  }
0x40: {  	_ =	shalt  }
0x41: {  	_ =	shalt  }
0x42: {  	_ =	shalt  }
0x43: {  	_ =	shalt  }
0x44: {  	_ =	shalt  }
0x45: {  	_ =	shalt  }
0x46: {  	_ =	shalt  }
0x47: {  	_ =	shalt  }
0x48: {  	_ =	shalt  }
0x49: {  	_ =	shalt  }
0x4a: {  	_ =	shalt  }
0x4b: {  	_ =	shalt  }
0x4c: {  	_ =	shalt  }
0x4d: {  	_ =	shalt  }
0x4e: {  	_ =	shalt  }
0x4f: {  	_ =	shalt  }
0x50: {  	_ =	shalt  }
0x51: {  	_ =	shalt  }
0x52: {  	_ =	shalt  }
0x53: {  	_ =	shalt  }
0x54: {  	_ =	shalt  }
0x55: {  	_ =	shalt  }
0x56: {  	_ =	shalt  }
0x57: {  	_ =	shalt  }
0x58: {  	_ =	shalt  }
0x59: {  	_ =	shalt  }
0x5a: {  	_ =	shalt  }
0x5b: {  	_ =	shalt  }
0x5c: {  	_ =	shalt  }
0x5d: {  	_ =	shalt  }
0x5e: {  	_ =	shalt  }
0x5f: {  	_ =	shalt  }
0x60: {  	_ =	shalt  }
0x61: {  	_ =	shalt  }
0x62: {  	_ =	shalt  }
0x63: {  	_ =	shalt  }
0x64: {  	_ =	shalt  }
0x65: {  	_ =	shalt  }
0x66: {  	_ =	shalt  }
0x67: {  	_ =	shalt  }
0x68: {  	_ =	shalt  }
0x69: {  	_ =	shalt  }
0x6a: {  	_ =	shalt  }
0x6b: {  	_ =	shalt  }
0x6c: {  	_ =	shalt  }
0x6d: {  	_ =	shalt  }
0x6e: {  	_ =	shalt  }
0x6f: {  	_ =	shalt  }
0x70: {  	_ =	shalt  }
0x71: {  	_ =	shalt  }
0x72: {  	_ =	shalt  }
0x73: {  	_ =	shalt  }
0x74: {  	_ =	shalt  }
0x75: {  	_ =	shalt  }
0x76: {  	_ =	shalt  }
0x77: {  	_ =	shalt  }
0x78: {  	_ =	shalt  }
0x79: {  	_ =	shalt  }
0x7a: {  	_ =	shalt  }
0x7b: {  	_ =	shalt  }
0x7c: {  	_ =	shalt  }
0x7d: {  	_ =	shalt  }
0x7e: {  	_ =	shalt  }
0x7f: {  	_ =	shalt  }
0x80: {  	_ =	shalt  }
0x81: {  	_ =	shalt  }
0x82: {  	_ =	shalt  }
0x83: {  	_ =	shalt  }
0x84: {  	_ =	shalt  }
0x85: {  	_ =	shalt  }
0x86: {  	_ =	shalt  }
0x87: {  	_ =	shalt  }
.Lfunc_end0:
.L_simem_size_0:
called_computation_lowered:
.L_overlay_start_0:
0x88: {  	s2 =	sld [smem:$0x3FD9]  }
0x89: {  	s3 =	sld [smem:$0x3FFE];
	_ =	sdelay $0x1  }
0x8a: {  	s1 =	srdreg.scid  }
0x8b: {  	s0 =	sand.u32 $0x1, s1  }
0x8c: {  	s17 =	sshll.u32 s0, $0xA;
	s2 =	sadd.s32 s3, s2  }
0x8d: {  	s2 =	sadd.s32 s2, s17  }
0x8e: {  	[smem:$0x3FC6] =	sst s2  }
0x8f: {  	_ = 	snop  }
0x90: {  	s2 =	sld [smem:$0x3FC8]  }
0x91: {  	s18 =	sld [smem:$0x3FD0];
	(tm) =	ssettm $0x1  }
0x92: {  	s4 =	sld [smem:$0x3FFB];
	_ =	sdelay $0x3  }
0x93: {  	_ =	strace s4  }
0x94: {  	s4 =	sld [smem:$0x3FFC];
	_ =	sdelay $0x3  }
0x95: {  	_ =	strace s4  }
0x96: {  	s4 =	sld [smem:$0x3FFD];
	_ =	sdelay $0x3  }
0x97: {  	_ =	strace s4  }
0x98: {  	_ =	strace $0x8FFFFFFF  }
0x99: {  	s19 =	sld [smem:$0x3FDB];
	_ =	sdelay $0x1  }
0x9a: {  	s5 =	simm.s32 $_scs_section_size  }
0x9b: {  	s6 =	simm.s32 $_size__tile_overlayer_lowered;
	s7 =	simm.s32 $_tile_overlayer_lowered  }
0x9c: {  	s22 =	simm.s32 $0x1BFF;
	s21 =	sshll.u32 s7, $0x1;
	s4 =	sadd.s32 s5, s19  }
0x9d: {  	s8 =	simm.s32 $0x0;
	s20 =	sshll.u32 s6, $0x1;
	s6 =	sadd.s32 s21, s4  }
0x9e: {  	[timem:s8], [sflag:s22] =	dma.local [hbm:s6], s20  }
0x9f: {  	_ =	swait.ge [sflag:s22], s20  }
0xa0: {  	s5 =	ssub.s32 $0x0, s20;
	[sflag:s22] =	ssyncset.done $0x0  }
0xa1: {  	[sflag:s22] =	ssyncadd.s32 s5;
	_ =	sdelay $0x1  }
0xa2: {  	s23 =	simm.s32 $0x1B8B  }
0xa3: {  	_ =	swait.ge [sflag:s23], $0x1  }
0xa4: {  	[sflag:s23] =	ssyncset.done $0x0  }
0xa5: {  	s25 =	simm.s32 $0x1B8E;
	s24 =	sld [smem:$0x3FFE];
	[sflag:s23] =	ssyncadd.s32 $0xFFFFFFFF  }
0xa6: {  	s26 =	simm.s32 $execute0_lowered;
	[smem:$0x3FD2] =	sst s25  }
0xa7: {  	s6 =	sshll.u32 s26, $0x1;
	_ =	strace $0x80000046;
	[dreg:$0x1] =	wrdreg $0xFFFFFFFF  }
0xa8: {  	s28 =	simm.s32 $_size_execute0_lowered;
	s4 =	sadd.s32 s4, s6;
	[dreg:$0x0] =	wrdreg $0x0  }
0xa9: {  	s6 =	sshll.u32 s28, $0x1;
	[dreg:$0x2] =	wrdreg s4  }
0xaa: {  	[dreg:$0x3] =	wrdreg s6  }
0xab: {  	[dreg:$0x4] =	wrdreg $0xC0  }
0xac: {  	_ =	task [dreg:s8], $0x5FFFF  }
0xad: {  	[dreg:$0x1] =	wrdreg $0xFFFFFFFF  }
0xae: {  	[dreg:$0x0] =	wrdreg $0x60  }
0xaf: {  	[dreg:$0x2] =	wrdreg s24  }
0xb0: {  	[dreg:$0x3] =	wrdreg s2  }
0xb1: {  	[dreg:$0x4] =	wrdreg s18  }
0xb2: {  	[dreg:$0x5] =	wrdreg $0x9  }
0xb3: {  	_ =	task.clear_ibuf [dreg:s8], $0x6FFFF;
	_ =	strace $0x90000046  }
0xb4: {  	s29 =	simm.s32 $0x9;
	_ =	strace $0x80000048  }
0xb5: {  	_ =	swait.ge [sflag:s29], $0x1  }
0xb6: {  	[sflag:s29] =	ssyncadd.s32 $0xFFFFFFFF  }
0xb7: {  	_ =	strace $0x90000048  }
0xb8: {  	_ =	sfence  }
0xb9: {  	s30 =	sld [smem:$0x0];
	_ =	sdelay $0x2  }
0xba: {  	s31 =	sshll.u32 s1, $0xD;
	s1 =	sshrl.u32 s1, $0x2  }
0xbb: {  	s3 =	sand.u32 $0x4000, s31;
	s1 =	sadd.s32 s1, s30  }
0xbc: {  	s0 =	sor.u32 s3, s0;
	s1 =	sshll.u32 s1, $0x11  }
0xbd: {  	s0 =	sor.u32 s1, s0  }
0xbe: {  	s0 =	sadd.s32 $0x8F2B, s0  }
0xbf: {  	[sflag:s0] =	ssyncadd.remote.s32 $0x1  }
0xc0: {  	_ =	sfence.sel $0xFFFF  }
0xc1: {  	[dreg:$0x0] =	wrdreg $0xFFFFFFFF;
	(pc) =	sbr.abs _section_cstart, $3  }
0xc2: {  	[dreg:$0x1] =	wrdreg $0xFFFFFFFF  }
0xc3: {  	_ =	task.clear_ibuf [dreg:s8], $0x2FFFF;
	_ =	strace $0x9FFFFFFF  }
0xc4: {  	(tm) =	ssettm $0x7FFFFFFF  }
0xc5: {  	_ =	shalt  }
tec
execute0_lowered:
.L_overlay_start_1:
0x0: {  	(tag) =	ssettag $0x1  }
0x1: {  	s4 =	rddreg [dreg:$0x0]  }
0x2: {  	s1 =	srdreg.scid;
	s2 =	rddreg [dreg:$0x1]  }
0x3: {  	s0 =	stileid.u32;
	s6 =	rddreg [dreg:$0x2]  }
0x4: {  	s3 =	simm.s32 $0x0;
	s12 =	simm.s32 $0x1;
	s13 =	simm.s32 $0x14500  }
0x5: {  	s14 =	simm.s32 $0x2;
	s15 =	simm.s32 $0x5;
	s16 =	simm.s32 $0x3  }
0x6: {  	s17 =	simm.s32 $0x6;
	s18 =	simm.s32 $0x4;
	s19 =	simm.s32 $0x7  }
0x7: {  	s20 =	simm.s32 $0x8;
	s21 =	simm.s32 $0x0;
	s5 =	sand.u32 $0x1, s1  }
0x8: {  	s30 =	sshll.u32 s0, $0x1;
	s1 =	rddreg [dreg:$0x3];
	s9 =	smul.u32 $0x32000, s0  }
0x9: {  	[smem:$0x7FF] =	sst s3;
	s7 =	sor.u32 s5, s30;
	s11 =	smul.u32 $0x19000, s5  }
0xa: {  	s8 =	ssub.s32 $0x2, s5;
	_ =	strace $0x80000047;
	s7 =	smul.u32 $0x320, s7  }
0xb: {  	s10 =	sshrl.u32 s8, $0x1;
	s6 =	sadd.s32 s9, s6;
	s9 =	simm.s32 $0x1900  }
0xc: {  	s31 =	ssub.s32 s8, s10;
	s6 =	sadd.s32 s11, s6;
	s8 =	simm.s32 $0xC8  }
0xd: {  	s10 =	simm.s32 $0x7D00;
	s11 =	simm.s32 $0xE100;
	s4 =	sadd.s32 s7, s4  }
0xe: {  	s5 =	smax.u32 s31, $0x1;
	s7 =	simm.s32 $0x9;
	s4 =	sadd.s32 $0x400, s4  }
.LBB2_1:
0xf: {  	[tilespmem:s3], [sflag:$0x9] =	stream.linear.gather [hbm4b:s4+s3], $0x1900, $0x38;
	[tilespmem:$0x1A900] =	vst v63  }
0x10: {  	_ =	swait.ge [sflag:s7], $0x1900  }
0x11: {  	[sflag:s7] =	ssyncset.done $0x0  }
0x12: {  	p0 =	por $0x1, $0x1;
	[sflag:s7] =	ssyncadd.s32 $0xFFFFE700  }
0x13: {  	[tilespmem:s9], [sflag:$0x1] =	stream.indirect.gather [hbm4b:s2+s8], $0x80, s3, s8, $0xb8;
	[tilespmem:$0x1A900] =	vst v63  }
0x14: {  	s22 =	simm.s32 @!p0 $0x7  }
0x15: {  	[tilespmem:s10], [sflag:$0x2] =	stream.indirect.gather [hbm4b:s2+s8], $0x80, s8, s8, $0xb8;
	[tilespmem:$0x1A900] =	vst v63  }
0x16: {  	_ =	swait.ge @!p0 [sflag:s22], $0x6400  }
0x17: {  	[sflag:s22] =	ssyncset.done @!p0 $0x0  }
0x18: {  	s28 =	simm.s32 $0x190;
	[sflag:s22] =	ssyncadd.s32 @!p0 $0xFFFF9C00  }
0x19: {  	[tilespmem:s11], [sflag:$0x3] =	stream.indirect.gather [hbm4b:s2+s8], $0x80, s28, s8, $0xb8;
	[tilespmem:$0x1A900] =	vst v63  }
0x1a: {  	_ =	swait.ge [sflag:s12], $0x6400  }
0x1b: {  	[sflag:s12] =	ssyncset.done $0x0  }
0x1c: {  	s22 =	simm.s32 @!p0 $0x8;
	[sflag:s12] =	ssyncadd.s32 $0xFFFF9C00  }
0x1d: {  	[hbm4b:s6+s3] =	stream.linear.scatter [tilespmem:s9], [sflag:$0x5], $0x6400, $0x38;
	[tilespmem:$0x1A900] =	vst v63  }
0x1e: {  	_ =	swait.ge @!p0 [sflag:s22], $0x6400  }
0x1f: {  	[sflag:s22] =	ssyncset.done @!p0 $0x0  }
0x20: {  	s29 =	simm.s32 $0x258;
	[sflag:s22] =	ssyncadd.s32 @!p0 $0xFFFF9C00  }
0x21: {  	[tilespmem:s13], [sflag:$0x4] =	stream.indirect.gather [hbm4b:s2+s8], $0x80, s29, s8, $0xb8;
	[tilespmem:$0x1A900] =	vst v63  }
0x22: {  	_ =	swait.ge [sflag:s14], $0x6400  }
0x23: {  	[sflag:s14] =	ssyncset.done $0x0  }
0x24: {  	s30 =	sadd.s32 $0xC80, s6;
	[sflag:s14] =	ssyncadd.s32 $0xFFFF9C00  }
0x25: {  	[hbm4b:s30+s3] =	stream.linear.scatter [tilespmem:s10], [sflag:$0x6], $0x6400, $0x38;
	[tilespmem:$0x1A900] =	vst v63  }
0x26: {  	p0 =	por $0x0, $0x0;
	_ =	swait.ge [sflag:s15], $0x6400  }
0x27: {  	s22 =	simm.s32 @!p0 $0x1900;
	[sflag:s15] =	ssyncset.done $0x0  }
0x28: {  	s23 =	simm.s32 @!p0 $0x320;
	s24 =	simm.s32 @!p0 $0xC8;
	[sflag:s15] =	ssyncadd.s32 $0xFFFF9C00  }
0x29: {  	[tilespmem:s22], [sflag:$0x1] =	stream.indirect.gather @!p0 [hbm4b:s2+s24], $0x80, s23, s24, $0xb8;
	[tilespmem:$0x1A900] =	vst v63  }
0x2a: {  	_ =	swait.ge [sflag:s16], $0x6400  }
0x2b: {  	[sflag:s16] =	ssyncset.done $0x0  }
0x2c: {  	s31 =	sadd.s32 $0x1900, s6;
	[sflag:s16] =	ssyncadd.s32 $0xFFFF9C00  }
0x2d: {  	[hbm4b:s31+s3] =	stream.linear.scatter [tilespmem:s11], [sflag:$0x7], $0x6400, $0x38;
	[tilespmem:$0x1A900] =	vst v63  }
0x2e: {  	_ =	swait.ge [sflag:s17], $0x6400  }
0x2f: {  	p1 =	por $0x0, $0x0;
	[sflag:s17] =	ssyncset.done $0x0  }
0x30: {  	s25 =	simm.s32 @!p0 $0x7D00;
	s22 =	simm.s32 @!p0 $0x3E8;
	[sflag:s17] =	ssyncadd.s32 $0xFFFF9C00  }
0x31: {  	[tilespmem:s25], [sflag:$0x2] =	stream.indirect.gather @!p0 [hbm4b:s2+s24], $0x80, s22, s24, $0xb8;
	[tilespmem:$0x1A900] =	vst v63  }
0x32: {  	s26 =	sadd.s32 $0x2580, s6;
	s23 =	simm.s32 $0xC80;
	_ =	swait.ge [sflag:s18], $0x6400  }
0x33: {  	s24 =	simm.s32 $0x1900;
	s22 =	sadd.s32 $0x3200, s6;
	[sflag:s18] =	ssyncset.done $0x0  }
.LBB2_2:
0x34: {  	s28 =	simm.s32 @!p1 $0x7;
	[sflag:s18] =	ssyncadd.s32 $0xFFFF9C00  }
0x35: {  	s29 =	smov.u32 s24;
	s24 =	sadd.s32 $0xC80, s24;
	s25 =	smov.u32 s22  }
0x36: {  	[hbm4b:s26+s3] =	stream.linear.scatter [tilespmem:s13], [sflag:$0x8], $0x6400, $0x38;
	[tilespmem:$0x1A900] =	vst v63  }
0x37: {  	p0 =	sne.s32 s24, $0x6400;
	_ =	swait.ge @!p1 [sflag:s28], $0x6400  }
0x38: {  	s26 =	sshra.s32 s23, $0x2;
	[sflag:s28] =	ssyncset.done @!p1 $0x0  }
0x39: {  	[sflag:s28] =	ssyncadd.s32 @!p1 $0xFFFF9C00;
	s28 =	sadd.s32 $0x190, s26  }
0x3a: {  	[tilespmem:s11], [sflag:$0x3] =	stream.indirect.gather [hbm4b:s2+s8], $0x80, s28, s8, $0xb8;
	[tilespmem:$0x1A900] =	vst v63  }
0x3b: {  	_ =	swait.ge [sflag:s12], $0x6400  }
0x3c: {  	[sflag:s12] =	ssyncset.done $0x0  }
0x3d: {  	s28 =	simm.s32 @!p1 $0x8;
	[sflag:s12] =	ssyncadd.s32 $0xFFFF9C00  }
0x3e: {  	[hbm4b:s22+s3] =	stream.linear.scatter [tilespmem:s9], [sflag:$0x5], $0x6400, $0x38;
	[tilespmem:$0x1A900] =	vst v63  }
0x3f: {  	_ =	swait.ge @!p1 [sflag:s28], $0x6400  }
0x40: {  	[sflag:s28] =	ssyncset.done @!p1 $0x0  }
0x41: {  	s26 =	sadd.s32 $0x258, s26;
	[sflag:s28] =	ssyncadd.s32 @!p1 $0xFFFF9C00  }
0x42: {  	[tilespmem:s13], [sflag:$0x4] =	stream.indirect.gather [hbm4b:s2+s8], $0x80, s26, s8, $0xb8;
	[tilespmem:$0x1A900] =	vst v63  }
0x43: {  	_ =	swait.ge [sflag:s14], $0x6400  }
0x44: {  	[sflag:s14] =	ssyncset.done $0x0  }
0x45: {  	s26 =	sadd.s32 $0xC80, s22;
	[sflag:s14] =	ssyncadd.s32 $0xFFFF9C00  }
0x46: {  	[hbm4b:s26+s3] =	stream.linear.scatter [tilespmem:s10], [sflag:$0x6], $0x6400, $0x38;
	[tilespmem:$0x1A900] =	vst v63  }
0x47: {  	p1 =	seq.s32 s23, $0x5780;
	_ =	swait.ge [sflag:s15], $0x6400  }
0x48: {  	s23 =	sshra.s32 @!p1 s23, $0x2;
	s26 =	simm.s32 @!p1 $0x1900;
	[sflag:s15] =	ssyncset.done $0x0  }
0x49: {  	s30 =	simm.s32 @!p1 $0xC8;
	s28 =	sadd.s32 @!p1 $0x320, s23;
	[sflag:s15] =	ssyncadd.s32 $0xFFFF9C00  }
0x4a: {  	[tilespmem:s26], [sflag:$0x1] =	stream.indirect.gather @!p1 [hbm4b:s2+s30], $0x80, s28, s30, $0xb8;
	[tilespmem:$0x1A900] =	vst v63  }
0x4b: {  	s26 =	sadd.s32 @!p1 $0x3E8, s23;
	s23 =	smov.u32 s29;
	_ =	swait.ge [sflag:s16], $0x6400  }
0x4c: {  	[sflag:s16] =	ssyncset.done $0x0  }
0x4d: {  	s28 =	sadd.s32 $0x1900, s22;
	[sflag:s16] =	ssyncadd.s32 $0xFFFF9C00  }
0x4e: {  	[hbm4b:s28+s3] =	stream.linear.scatter [tilespmem:s11], [sflag:$0x7], $0x6400, $0x38;
	[tilespmem:$0x1A900] =	vst v63  }
0x4f: {  	_ =	swait.ge [sflag:s17], $0x6400  }
.Ltmp0:
0x50: {  	[sflag:s17] =	ssyncset.done $0x0;
	(pc) =	sbr.rel @p0 .LBB2_2-.Ltmp0, $4  }
0x51: {  	s28 =	simm.s32 @!p1 $0x7D00;
	[sflag:s17] =	ssyncadd.s32 $0xFFFF9C00  }
0x52: {  	[tilespmem:s28], [sflag:$0x2] =	stream.indirect.gather @!p1 [hbm4b:s2+s30], $0x80, s26, s30, $0xb8;
	[tilespmem:$0x1A900] =	vst v63  }
0x53: {  	s22 =	sadd.s32 $0x3200, s22;
	_ =	swait.ge [sflag:s18], $0x6400  }
0x54: {  	p1 =	seq.s32 s23, $0x0;
	s26 =	sadd.s32 $0x2580, s25;
	[sflag:s18] =	ssyncset.done $0x0  }
0x55: {  	s24 =	simm.s32 @!p1 $0x7;
	[sflag:s18] =	ssyncadd.s32 $0xFFFF9C00  }
0x56: {  	[hbm4b:s26+s3] =	stream.linear.scatter [tilespmem:s13], [sflag:$0x8], $0x6400, $0x38;
	[tilespmem:$0x1A900] =	vst v63  }
0x57: {  	_ =	swait.ge @!p1 [sflag:s24], $0x6400  }
0x58: {  	s25 =	sshra.s32 s23, $0x2;
	[sflag:s24] =	ssyncset.done @!p1 $0x0  }
0x59: {  	s26 =	sadd.s32 $0x190, s25;
	[sflag:s24] =	ssyncadd.s32 @!p1 $0xFFFF9C00  }
0x5a: {  	[tilespmem:s11], [sflag:$0x3] =	stream.indirect.gather [hbm4b:s2+s8], $0x80, s26, s8, $0xb8;
	[tilespmem:$0x1A900] =	vst v63  }
0x5b: {  	_ =	swait.ge [sflag:s12], $0x6400  }
0x5c: {  	[sflag:s12] =	ssyncset.done $0x0  }
0x5d: {  	s24 =	simm.s32 @!p1 $0x8;
	[sflag:s12] =	ssyncadd.s32 $0xFFFF9C00  }
0x5e: {  	[hbm4b:s22+s3] =	stream.linear.scatter [tilespmem:s9], [sflag:$0x5], $0x6400, $0x38;
	[tilespmem:$0x1A900] =	vst v63  }
0x5f: {  	_ =	swait.ge @!p1 [sflag:s24], $0x6400  }
0x60: {  	[sflag:s24] =	ssyncset.done @!p1 $0x0  }
0x61: {  	s28 =	sadd.s32 $0x258, s25;
	[sflag:s24] =	ssyncadd.s32 @!p1 $0xFFFF9C00  }
0x62: {  	[tilespmem:s13], [sflag:$0x4] =	stream.indirect.gather [hbm4b:s2+s8], $0x80, s28, s8, $0xb8;
	[tilespmem:$0x1A900] =	vst v63  }
0x63: {  	_ =	swait.ge [sflag:s14], $0x6400  }
0x64: {  	[sflag:s14] =	ssyncset.done $0x0  }
0x65: {  	s29 =	sadd.s32 $0xC80, s22;
	p0 =	seq.s32 s23, $0x5780;
	[sflag:s14] =	ssyncadd.s32 $0xFFFF9C00  }
0x66: {  	[hbm4b:s29+s3] =	stream.linear.scatter [tilespmem:s10], [sflag:$0x6], $0x6400, $0x38;
	[tilespmem:$0x1A900] =	vst v63  }
0x67: {  	s23 =	sshra.s32 @!p0 s23, $0x2;
	_ =	swait.ge [sflag:s15], $0x6400  }
0x68: {  	s25 =	sadd.s32 @!p0 $0x320, s23;
	[sflag:s15] =	ssyncset.done $0x0  }
0x69: {  	s26 =	simm.s32 @!p0 $0xC8;
	s24 =	simm.s32 @!p0 $0x1900;
	[sflag:s15] =	ssyncadd.s32 $0xFFFF9C00  }
0x6a: {  	[tilespmem:s24], [sflag:$0x1] =	stream.indirect.gather @!p0 [hbm4b:s2+s26], $0x80, s25, s26, $0xb8;
	[tilespmem:$0x1A900] =	vst v63  }
0x6b: {  	_ =	swait.ge [sflag:s16], $0x6400  }
0x6c: {  	[sflag:s16] =	ssyncset.done $0x0  }
0x6d: {  	s30 =	sadd.s32 $0x1900, s22;
	[sflag:s16] =	ssyncadd.s32 $0xFFFF9C00  }
0x6e: {  	[hbm4b:s30+s3] =	stream.linear.scatter [tilespmem:s11], [sflag:$0x7], $0x6400, $0x38;
	[tilespmem:$0x1A900] =	vst v63  }
0x6f: {  	_ =	swait.ge [sflag:s17], $0x6400  }
0x70: {  	[sflag:s17] =	ssyncset.done $0x0  }
0x71: {  	s23 =	sadd.s32 @!p0 $0x3E8, s23;
	s24 =	simm.s32 @!p0 $0x7D00;
	[sflag:s17] =	ssyncadd.s32 $0xFFFF9C00  }
0x72: {  	[tilespmem:s24], [sflag:$0x2] =	stream.indirect.gather @!p0 [hbm4b:s2+s26], $0x80, s23, s26, $0xb8;
	[tilespmem:$0x1A900] =	vst v63  }
0x73: {  	_ =	swait.ge [sflag:s18], $0x6400  }
0x74: {  	[sflag:s18] =	ssyncset.done $0x0  }
0x75: {  	s31 =	sadd.s32 $0x2580, s22;
	s21 =	sadd.s32 $0x1, s21;
	[sflag:s18] =	ssyncadd.s32 $0xFFFF9C00  }
0x76: {  	[hbm4b:s31+s3] =	stream.linear.scatter [tilespmem:s13], [sflag:$0x8], $0x6400, $0x38;
	[tilespmem:$0x1A900] =	vst v63  }
0x77: {  	p0 =	sne.s32 s21, s5;
	_ =	swait.ge [sflag:s19], $0x6400  }
.Ltmp1:
0x78: {  	[sflag:s19] =	ssyncset.done $0x0;
	(pc) =	sbr.rel @p0 .LBB2_1-.Ltmp1, $4  }
0x79: {  	[sflag:s19] =	ssyncadd.s32 $0xFFFF9C00  }
0x7a: {  	_ =	swait.ge [sflag:s20], $0x6400  }
0x7b: {  	[sflag:s20] =	ssyncset.done $0x0  }
0x7c: {  	[sflag:s20] =	ssyncadd.s32 $0xFFFF9C00  }
0x7d: {  	_ =	sfence.sel $0x180000  }
0x7e: {  	[bflag:$0x0] =	sbarrier.arrive $0xFFFF  }
0x7f: {  	p0 =	sne.s32 s0, $0x0;
	_ =	strace $0x90000047  }
0x80: {  	s0 =	sadd.s32 @!p0 $0x100000, s1;
	[bflag:$0x2] =	sbarrier.arrive $0xFFFF  }
0x81: {  	[sflag:s0] =	ssyncadd.tile.s32 @!p0 $0x1;
	_ =	shalt  }
.Lfunc_end2:
_tile_overlayer_lowered:
.L_overlay_start_2:
0x82: {  	(tag) =	ssettag $0x2  }
0x83: {  	s0 =	rddreg [dreg:$0x0];
	s2 =	stileid.u32  }
0x84: {  	s1 =	rddreg [dreg:$0x1];
	p0 =	sne.s32 s2, $0x0  }
0x85: {  	s3 =	rddreg [dreg:$0x2];
	[bflag:$0x3] =	sbarrier.arrive $0xFFFF;
	s2 =	simm.s32 @!p0 $0x1C09  }
0x86: {  	[timem:s3], [sflag:s2] =	dma.local @!p0 [hbm:s0], s1  }
0x87: {  	s0 =	simm.s32 @!p0 $0x9  }
0x88: {  	_ =	swait.ge @!p0 [sflag:s0], s1  }
0x89: {  	s1 =	ssub.s32 @!p0 $0x0, s1;
	[sflag:s0] =	ssyncset.done @!p0 $0x0  }
0x8a: {  	[sflag:s0] =	ssyncadd.s32 @!p0 s1  }
0x8b: {  	[bflag:$0x3] =	sbarrier.arrive $0xFFFF  }
0x8c: {  	_ =	shalt  }

</sc_bundles>
